<compile_context>
chip_gen: v7x
topology: tpu7x:2x2x1
jax: 0.10.2.dev20260603
libtpu: 0.0.44.dev20260713+nightly
codegen_flags: <defaults>
</compile_context>

<pallas_src>
import functools

import jax
import jax.numpy as jnp
from jax import lax
from jax.experimental import pallas as pl
from jax.experimental.pallas import tpu as pltpu
from jax.experimental.pallas import tpu_sc as plsc

_N = 4096
_T = 512
_B = _N // _T
_THR = 0.5
_FAR = -1e9


def _nms_body(boxes_ref, boxes_t_ref, probs_ref, out_ref, keep_row_ref):
    riota = jax.lax.broadcasted_iota(jnp.int32, (_T, _T), 0)
    ciota = jax.lax.broadcasted_iota(jnp.int32, (_T, _T), 1)
    eye = riota == ciota
    tri = riota < ciota

    keep_row_ref[...] = jnp.ones((1, _N), jnp.float32)

    def col_comps(base):
        x1c = boxes_ref[pl.ds(base, _T), 0:1]
        y1c = boxes_ref[pl.ds(base, _T), 1:2]
        x2c = boxes_ref[pl.ds(base, _T), 2:3]
        y2c = boxes_ref[pl.ds(base, _T), 3:4]
        return x1c, y1c, x2c, y2c

    def row_comps(base):
        x1r = boxes_t_ref[0:1, pl.ds(base, _T)]
        y1r = boxes_t_ref[1:2, pl.ds(base, _T)]
        x2r = boxes_t_ref[2:3, pl.ds(base, _T)]
        y2r = boxes_t_ref[3:4, pl.ds(base, _T)]
        return x1r, y1r, x2r, y2r

    def block_step(bi, carry):
        base_i = bi * _T
        x1c, y1c, x2c, y2c = col_comps(base_i)
        x1r, y1r, x2r, y2r = row_comps(base_i)

        area_c = (x2c - x1c) * (y2c - y1c)
        area_r = (x2r - x1r) * (y2r - y1r)
        w = jnp.maximum(jnp.minimum(x2c, x2r) - jnp.maximum(x1c, x1r), 0.0)
        h = jnp.maximum(jnp.minimum(y2c, y2r) - jnp.maximum(y1c, y1r), 0.0)
        inter = w * h
        union = area_c + area_r - inter
        diag_hit = (inter / jnp.maximum(union, 1e-9) > _THR) & tri

        init = keep_row_ref[0:1, pl.ds(base_i, _T)]

        def fix_body(c):
            kp, _ = c
            kcol = jnp.max(jnp.where(eye, kp, 0.0), axis=1, keepdims=True)
            supd = jnp.max(
                jnp.where((kcol > 0.0) & diag_hit, 1.0, 0.0),
                axis=0, keepdims=True)
            new = jnp.where(supd > 0.0, 0.0, init)
            return new, jnp.any(new != kp)

        keep_i, _ = jax.lax.while_loop(
            lambda c: c[1], fix_body, (init, jnp.bool_(True)))
        keep_row_ref[0:1, pl.ds(base_i, _T)] = keep_i

        kmask = jnp.max(jnp.where(eye, keep_i, 0.0), axis=1, keepdims=True) > 0.0
        mx1 = jnp.where(kmask, x1c, _FAR)
        my1 = jnp.where(kmask, y1c, _FAR)
        mx2 = jnp.where(kmask, x2c, _FAR)
        my2 = jnp.where(kmask, y2c, _FAR)
        mac = (mx2 - mx1) * (my2 - my1)
        X1 = jnp.broadcast_to(mx1, (_T, _T))
        Y1 = jnp.broadcast_to(my1, (_T, _T))
        X2 = jnp.broadcast_to(mx2, (_T, _T))
        Y2 = jnp.broadcast_to(my2, (_T, _T))
        AC = jnp.broadcast_to(mac, (_T, _T))

        def sweep(bj, c):
            base_j = bj * _T
            x1, y1, x2, y2 = row_comps(base_j)
            ar = (x2 - x1) * (y2 - y1)
            ww = jnp.maximum(jnp.minimum(X2, x2) - jnp.maximum(X1, x1), 0.0)
            hh = jnp.maximum(jnp.minimum(Y2, y2) - jnp.maximum(Y1, y1), 0.0)
            it = ww * hh
            un = AC + ar - it
            iou = it / jnp.maximum(un, 1e-9)
            hit = jnp.max(iou, axis=0, keepdims=True)
            kb = keep_row_ref[0:1, pl.ds(base_j, _T)]
            keep_row_ref[0:1, pl.ds(base_j, _T)] = jnp.where(
                hit > _THR, 0.0, kb)
            return c

        jax.lax.fori_loop(bi + 1, _B, sweep, 0)
        return carry

    jax.lax.fori_loop(0, _B, block_step, 0)

    kr = keep_row_ref[0:1, :]
    out_ref[0:1, :] = boxes_t_ref[0:1, :] * kr
    out_ref[1:2, :] = boxes_t_ref[1:2, :] * kr
    out_ref[2:3, :] = boxes_t_ref[2:3, :] * kr
    out_ref[3:4, :] = boxes_t_ref[3:4, :] * kr
    out_ref[4:5, :] = probs_ref[0:1, :] * kr


def _nms_call(top_boxes, boxes_t, probs_row, interpret=False):
    return pl.pallas_call(
        _nms_body,
        out_shape=jax.ShapeDtypeStruct((5, _N), jnp.float32),
        scratch_shapes=[
            pltpu.VMEM((1, _N), jnp.float32),
        ],
        interpret=interpret,
    )(top_boxes, boxes_t, probs_row)


def _sc_gather(table, idx):
    info = plsc.get_sparse_core_info()
    nc = info.num_cores
    bpw = _N // (nc * info.num_subcores)
    mesh = plsc.VectorSubcoreMesh(core_axis_name="c", subcore_axis_name="s")

    @functools.partial(
        pl.kernel, mesh=mesh,
        out_type=jax.ShapeDtypeStruct((_N, 16), jnp.float32),
        compiler_params=pltpu.CompilerParams(use_tc_tiling_on_sc=False),
        scratch_types=[
            pltpu.VMEM((bpw,), jnp.int32),
            pltpu.VMEM((bpw, 16), jnp.float32),
            pltpu.SemaphoreType.DMA,
        ],
    )
    def k(table_hbm, idx_hbm, out_hbm, idx_v, rows_v, sem):
        wid = lax.axis_index("s") * nc + lax.axis_index("c")
        base = wid * bpw
        pltpu.sync_copy(idx_hbm.at[pl.ds(base, bpw)], idx_v)
        pltpu.async_copy(table_hbm.at[idx_v], rows_v, sem).wait()
        pltpu.sync_copy(rows_v, out_hbm.at[pl.ds(base, bpw)])

    return k(table, idx)


def kernel(boxes, scores):
    probs = jax.nn.sigmoid(scores)
    top_probs, top_idx = jax.lax.top_k(probs, _N)
    table16 = jnp.pad(boxes, ((0, 0), (0, 12)))
    top_boxes = _sc_gather(table16, top_idx)[:, :4]
    out_t = _nms_call(top_boxes, top_boxes.T, top_probs[None, :])
    return out_t.T

# --- scband reference (transcript-rebuilt; emitter-appended) ---
"""Pipeline reference for scband-anchor-head-template-37460704756531 (READ-ONLY COPY).

The authoritative reference and input builder live on the scoring server;
editing this copy changes nothing except your own understanding.
"""

import jax, jax.numpy as jnp
import numpy as np

N_BOXES = 20000
PRE_MAX_SIZE = 4096
IOU_THRESHOLD = 0.5


def setup_inputs(seed: int = 0) -> dict:
    key = jax.random.key(seed)
    k1, k2 = jax.random.split(key)
    raw = jax.random.uniform(k1, (N_BOXES, 4), dtype=jnp.float32)
    cx = raw[:, 0] * 100.0
    cy = raw[:, 1] * 100.0
    w = raw[:, 2] * 8.0 + 0.5
    h = raw[:, 3] * 8.0 + 0.5
    boxes = jnp.stack([cx - 0.5 * w, cy - 0.5 * h, cx + 0.5 * w, cy + 0.5 * h], axis=1)
    scores = jax.random.normal(k2, (N_BOXES,), dtype=jnp.float32)
    return {"boxes": boxes, "scores": scores}


def _pairwise_iou(b):
    area = (b[:, 2] - b[:, 0]) * (b[:, 3] - b[:, 1])
    lt = jnp.maximum(b[:, None, :2], b[None, :, :2])
    rb = jnp.minimum(b[:, None, 2:], b[None, :, 2:])
    wh = jnp.maximum(rb - lt, 0.0)
    inter = wh[..., 0] * wh[..., 1]
    union = area[:, None] + area[None, :] - inter
    return inter / jnp.maximum(union, 1e-9)


def reference(boxes, scores):
    # cls logits -> sigmoid probs (AnchorHeadTemplate uses sigmoid focal cls head)
    probs = jax.nn.sigmoid(scores)
    # pre-NMS top-k (nms_pre_maxsize)
    top_scores, top_idx = jax.lax.top_k(probs, PRE_MAX_SIZE)
    top_boxes = boxes[top_idx]
    # pairwise IoU of sorted candidates
    iou = jax.lax.stop_gradient(_pairwise_iou(top_boxes))
    rng = jnp.arange(PRE_MAX_SIZE)

    def body(keep, i):
        sup = (iou[i] > IOU_THRESHOLD) & (rng > i) & keep[i]
        keep = jnp.where(sup, False, keep)
        return keep, None

    keep, _ = jax.lax.scan(body, jnp.ones((PRE_MAX_SIZE,), dtype=bool), rng)
    keep_f = keep.astype(jnp.float32)
    out_boxes = top_boxes * keep_f[:, None]
    out_scores = top_scores * keep_f
    return jnp.concatenate([out_boxes, out_scores[:, None]], axis=1)

if __name__ == "__main__":
    import jax
    _d = setup_inputs()
    print(jax.jit(kernel)(*tuple(_d.values())))

</pallas_src>

<mosaic_0001>
#map = affine_map<(d0, d1) -> (0, 0)>
#map1 = affine_map<(d0, d1) -> (0)>
module attributes {stable_mosaic.version = 14 : i64} {
  func.func @k(%arg0: i32, %arg1: i32, %arg2: memref<20000x16xf32, #tpu.memory_space<hbm>>, %arg3: memref<4096xi32, #tpu.memory_space<hbm>>, %arg4: memref<4096x16xf32, #tpu.memory_space<hbm>>, %arg5: memref<128xi32, #tpu.memory_space<vmem>>, %arg6: memref<128x16xf32, #tpu.memory_space<vmem>>, %arg7: memref<!tpu.dma_semaphore, #tpu.memory_space<semaphore_mem>>) attributes {dimension_semantics = [#tpu.dimension_semantics<core_parallel>, #tpu.dimension_semantics<subcore_parallel>], iteration_bounds = array<i64: 2, 16>, scalar_prefetch = 0 : i64, scratch_operands = 3 : i64, tpu.core_type = #tpu.core_type<sc_vector_subcore>, window_params = [{transform_indices = #map}, {transform_indices = #map1}, {transform_indices = #map}]} {
    %mul3A = arith.constant 2 : i32
    %mul3A_0 = arith.muli %arg1, %mul3A : i32
    %add3A = arith.addi %mul3A_0, %arg0 : i32
    %mul3A_1 = arith.constant 128 : i32
    %mul3A_2 = arith.muli %add3A, %mul3A_1 : i32
    "tpu.region"() ({
      %run_scoped3A = tpu.sem_alloc : memref<!tpu.dma_semaphore, #tpu.memory_space<semaphore_mem>>
      %dma_start3A_7 = tpu.memref_slice %arg3[%mul3A_2] : memref<4096xi32, #tpu.memory_space<hbm>> -> memref<128xi32, #tpu.memory_space<hbm>>
      %dma_start3A_8 = tpu.memref_slice %arg3[%mul3A_2] : memref<4096xi32, #tpu.memory_space<hbm>> -> memref<128xi32, #tpu.memory_space<hbm>>
      tpu.enqueue_dma source(%dma_start3A_8 : memref<128xi32, #tpu.memory_space<hbm>>) target(%arg5 : memref<128xi32, #tpu.memory_space<vmem>>) target_semaphore(%run_scoped3A : memref<!tpu.dma_semaphore, #tpu.memory_space<semaphore_mem>>)
      %dma_wait3A_9 = tpu.memref_slice %arg3[%mul3A_2] : memref<4096xi32, #tpu.memory_space<hbm>> -> memref<128xi32, #tpu.memory_space<hbm>>
      %dma_wait3A_10 = tpu.memref_slice %arg3[%mul3A_2] : memref<4096xi32, #tpu.memory_space<hbm>> -> memref<128xi32, #tpu.memory_space<hbm>>
      tpu.wait_dma2 semaphore(%run_scoped3A : memref<!tpu.dma_semaphore, #tpu.memory_space<semaphore_mem>>) src(%dma_wait3A_10 : memref<128xi32, #tpu.memory_space<hbm>>) dst(%arg5 : memref<128xi32, #tpu.memory_space<vmem>>)
      tpu.yield
    }) : () -> ()
    %dma_start3A = arith.constant 0 : i32
    %dma_start3A_3 = arith.constant 0 : i32
    %dma_start3A_4 = tpu.memref_slice %arg2[%dma_start3A, %dma_start3A_3] : memref<20000x16xf32, #tpu.memory_space<hbm>> -> memref<20000x16xf32, #tpu.memory_space<hbm>>
    tpu.enqueue_indirect_dma source(%dma_start3A_4 : memref<20000x16xf32, #tpu.memory_space<hbm>>) target(%arg6 : memref<128x16xf32, #tpu.memory_space<vmem>>) offsets(%arg5 : memref<128xi32, #tpu.memory_space<vmem>>) semaphore(%arg7 : memref<!tpu.dma_semaphore, #tpu.memory_space<semaphore_mem>>)
    %dma_wait3A = arith.constant 0 : i32
    %dma_wait3A_5 = arith.constant 0 : i32
    %dma_wait3A_6 = tpu.memref_slice %arg2[%dma_wait3A, %dma_wait3A_5] : memref<20000x16xf32, #tpu.memory_space<hbm>> -> memref<20000x16xf32, #tpu.memory_space<hbm>>
    tpu.wait_indirect_dma semaphore(%arg7 : memref<!tpu.dma_semaphore, #tpu.memory_space<semaphore_mem>>) src(%dma_wait3A_6 : memref<20000x16xf32, #tpu.memory_space<hbm>>) dst(%arg6 : memref<128x16xf32, #tpu.memory_space<vmem>>)
    "tpu.region"() ({
      %run_scoped3A = tpu.sem_alloc : memref<!tpu.dma_semaphore, #tpu.memory_space<semaphore_mem>>
      %dma_start3A_7 = arith.constant 0 : i32
      %dma_start3A_8 = tpu.memref_slice %arg4[%mul3A_2, %dma_start3A_7] : memref<4096x16xf32, #tpu.memory_space<hbm>> -> memref<128x16xf32, #tpu.memory_space<hbm>>
      %dma_start3A_9 = arith.constant 0 : i32
      %dma_start3A_10 = tpu.memref_slice %arg4[%mul3A_2, %dma_start3A_9] : memref<4096x16xf32, #tpu.memory_space<hbm>> -> memref<128x16xf32, #tpu.memory_space<hbm>>
      tpu.enqueue_dma source(%arg6 : memref<128x16xf32, #tpu.memory_space<vmem>>) target(%dma_start3A_10 : memref<128x16xf32, #tpu.memory_space<hbm>>) target_semaphore(%run_scoped3A : memref<!tpu.dma_semaphore, #tpu.memory_space<semaphore_mem>>)
      %dma_wait3A_11 = arith.constant 0 : i32
      %dma_wait3A_12 = tpu.memref_slice %arg4[%mul3A_2, %dma_wait3A_11] : memref<4096x16xf32, #tpu.memory_space<hbm>> -> memref<128x16xf32, #tpu.memory_space<hbm>>
      %dma_wait3A_13 = arith.constant 0 : i32
      %dma_wait3A_14 = tpu.memref_slice %arg4[%mul3A_2, %dma_wait3A_13] : memref<4096x16xf32, #tpu.memory_space<hbm>> -> memref<128x16xf32, #tpu.memory_space<hbm>>
      tpu.wait_dma2 semaphore(%run_scoped3A : memref<!tpu.dma_semaphore, #tpu.memory_space<semaphore_mem>>) src(%arg6 : memref<128x16xf32, #tpu.memory_space<vmem>>) dst(%dma_wait3A_14 : memref<128x16xf32, #tpu.memory_space<hbm>>)
      tpu.yield
    }) : () -> ()
    return
  }
}

module attributes {stable_mosaic.version = 14 : i64} {
  func.func @_nms_body(%arg0: memref<4096x4xf32, #tpu.memory_space<vmem>>, %arg1: memref<4x4096xf32, #tpu.memory_space<vmem>>, %arg2: memref<1x4096xf32, #tpu.memory_space<vmem>>, %arg3: memref<5x4096xf32, #tpu.memory_space<vmem>>, %arg4: memref<1x4096xf32, #tpu.memory_space<vmem>>) attributes {dimension_semantics = [], scalar_prefetch = 0 : i64, scratch_operands = 1 : i64, tpu.core_type = #tpu.core_type<tc>} {
    %iota3A = tpu.iota {dimensions = array<i32: 0>} : vector<512x512xi32>
    %iota3A_0 = tpu.iota {dimensions = array<i32: 1>} : vector<512x512xi32>
    %eq3A = arith.cmpi eq, %iota3A, %iota3A_0 : vector<512x512xi32>
    %lt3A = arith.cmpi slt, %iota3A, %iota3A_0 : vector<512x512xi32>
    %broadcast_in_dim3A = arith.constant 1.000000e+00 : f32
    %broadcast_in_dim3A_1 = vector.broadcast %broadcast_in_dim3A : f32 to vector<1x4096xf32>
    %swap3A = arith.constant 0 : index
    %swap3A_2 = arith.constant 0 : index
    %swap3A_3 = vector.load %arg4[%swap3A, %swap3A_2] : memref<1x4096xf32, #tpu.memory_space<vmem>>, vector<1x4096xf32>
    tpu.vector_store %arg4[%swap3A, %swap3A_2], %broadcast_in_dim3A_1 {strides = array<i32>} : memref<1x4096xf32, #tpu.memory_space<vmem>>, vector<1x4096xf32>,
    %scan3A = arith.constant 0 : i32
    %scan3A_4 = arith.constant 8 : i32
    %scan3A_5 = arith.addi %scan3A, %scan3A_4 : i32
    %scan3A_6 = arith.constant 1 : i32
    scf.for %scan3A_44 = %scan3A to %scan3A_5 step %scan3A_6  : i32 {
      %mul3A_45 = arith.constant 512 : i32
      %mul3A_46 = arith.muli %scan3A_44, %mul3A_45 : i32
      %get3A_47 = arith.index_cast %mul3A_46 : i32 to index
      %get3A_48 = arith.constant 0 : index
      %get3A_49 = vector.load %arg0[%get3A_47, %get3A_48] : memref<4096x4xf32, #tpu.memory_space<vmem>>, vector<512x1xf32>
      %get3A_50 = arith.index_cast %mul3A_46 : i32 to index
      %get3A_51 = arith.constant 1 : index
      %get3A_52 = vector.load %arg0[%get3A_50, %get3A_51] : memref<4096x4xf32, #tpu.memory_space<vmem>>, vector<512x1xf32>
      %get3A_53 = arith.index_cast %mul3A_46 : i32 to index
      %get3A_54 = arith.constant 2 : index
      %get3A_55 = vector.load %arg0[%get3A_53, %get3A_54] : memref<4096x4xf32, #tpu.memory_space<vmem>>, vector<512x1xf32>
      %get3A_56 = arith.index_cast %mul3A_46 : i32 to index
      %get3A_57 = arith.constant 3 : index
      %get3A_58 = vector.load %arg0[%get3A_56, %get3A_57] : memref<4096x4xf32, #tpu.memory_space<vmem>>, vector<512x1xf32>
      %get3A_59 = arith.constant 0 : index
      %get3A_60 = arith.index_cast %mul3A_46 : i32 to index
      %get3A_61 = vector.load %arg1[%get3A_59, %get3A_60] : memref<4x4096xf32, #tpu.memory_space<vmem>>, vector<1x512xf32>
      %get3A_62 = arith.constant 1 : index
      %get3A_63 = arith.index_cast %mul3A_46 : i32 to index
      %get3A_64 = vector.load %arg1[%get3A_62, %get3A_63] : memref<4x4096xf32, #tpu.memory_space<vmem>>, vector<1x512xf32>
      %get3A_65 = arith.constant 2 : index
      %get3A_66 = arith.index_cast %mul3A_46 : i32 to index
      %get3A_67 = vector.load %arg1[%get3A_65, %get3A_66] : memref<4x4096xf32, #tpu.memory_space<vmem>>, vector<1x512xf32>
      %get3A_68 = arith.constant 3 : index
      %get3A_69 = arith.index_cast %mul3A_46 : i32 to index
      %get3A_70 = vector.load %arg1[%get3A_68, %get3A_69] : memref<4x4096xf32, #tpu.memory_space<vmem>>, vector<1x512xf32>
      %sub3A = arith.subf %get3A_55, %get3A_49 : vector<512x1xf32>
      %sub3A_71 = arith.subf %get3A_58, %get3A_52 : vector<512x1xf32>
      %mul3A_72 = arith.mulf %sub3A, %sub3A_71 : vector<512x1xf32>
      %sub3A_73 = arith.subf %get3A_67, %get3A_61 : vector<1x512xf32>
      %sub3A_74 = arith.subf %get3A_70, %get3A_64 : vector<1x512xf32>
      %mul3A_75 = arith.mulf %sub3A_73, %sub3A_74 : vector<1x512xf32>
      %min3A = vector.broadcast %get3A_55 : vector<512x1xf32> to vector<512x512xf32>
      %min3A_76 = vector.broadcast %get3A_67 : vector<1x512xf32> to vector<512x512xf32>
      %min3A_77 = arith.minimumf %min3A, %min3A_76 : vector<512x512xf32>
      %max3A = vector.broadcast %get3A_49 : vector<512x1xf32> to vector<512x512xf32>
      %max3A_78 = vector.broadcast %get3A_61 : vector<1x512xf32> to vector<512x512xf32>
      %max3A_79 = arith.maximumf %max3A, %max3A_78 : vector<512x512xf32>
      %sub3A_80 = arith.subf %min3A_77, %max3A_79 : vector<512x512xf32>
      %max3A_81 = arith.constant 0.000000e+00 : f32
      %max3A_82 = vector.broadcast %max3A_81 : f32 to vector<512x512xf32>
      %max3A_83 = arith.maximumf %sub3A_80, %max3A_82 : vector<512x512xf32>
      %min3A_84 = vector.broadcast %get3A_58 : vector<512x1xf32> to vector<512x512xf32>
      %min3A_85 = vector.broadcast %get3A_70 : vector<1x512xf32> to vector<512x512xf32>
      %min3A_86 = arith.minimumf %min3A_84, %min3A_85 : vector<512x512xf32>
      %max3A_87 = vector.broadcast %get3A_52 : vector<512x1xf32> to vector<512x512xf32>
      %max3A_88 = vector.broadcast %get3A_64 : vector<1x512xf32> to vector<512x512xf32>
      %max3A_89 = arith.maximumf %max3A_87, %max3A_88 : vector<512x512xf32>
      %sub3A_90 = arith.subf %min3A_86, %max3A_89 : vector<512x512xf32>
      %max3A_91 = arith.constant 0.000000e+00 : f32
      %max3A_92 = vector.broadcast %max3A_91 : f32 to vector<512x512xf32>
      %max3A_93 = arith.maximumf %sub3A_90, %max3A_92 : vector<512x512xf32>
      %mul3A_94 = arith.mulf %max3A_83, %max3A_93 : vector<512x512xf32>
      %add3A = vector.broadcast %mul3A_72 : vector<512x1xf32> to vector<512x512xf32>
      %add3A_95 = vector.broadcast %mul3A_75 : vector<1x512xf32> to vector<512x512xf32>
      %add3A_96 = arith.addf %add3A, %add3A_95 : vector<512x512xf32>
      %sub3A_97 = arith.subf %add3A_96, %mul3A_94 : vector<512x512xf32>
      %max3A_98 = arith.constant 9.99999971E-10 : f32
      %max3A_99 = vector.broadcast %max3A_98 : f32 to vector<512x512xf32>
      %max3A_100 = arith.maximumf %sub3A_97, %max3A_99 : vector<512x512xf32>
      %div3A = arith.divf %mul3A_94, %max3A_100 : vector<512x512xf32>
      %gt3A = arith.constant 5.000000e-01 : f32
      %gt3A_101 = vector.broadcast %gt3A : f32 to vector<512x512xf32>
      %gt3A_102 = arith.cmpf ogt, %div3A, %gt3A_101 : vector<512x512xf32>
      %and3A = arith.andi %gt3A_102, %lt3A : vector<512x512xi1>
      %get3A_103 = arith.constant 0 : index
      %get3A_104 = arith.index_cast %mul3A_46 : i32 to index
      %get3A_105 = vector.load %arg4[%get3A_103, %get3A_104] : memref<1x4096xf32, #tpu.memory_space<vmem>>, vector<1x512xf32>
      %while3A = arith.constant true
      %while3A_106:2 = scf.while (%while3A_155 = %get3A_105, %while3A_156 = %while3A) : (vector<1x512xf32>, i1) -> (vector<1x512xf32>, i1) {
        scf.condition(%while3A_156) %while3A_155, %while3A_156 : vector<1x512xf32>, i1
      } do {
      ^bb0(%while3A_155: vector<1x512xf32>, %while3A_156: i1):
        %jit3A_157 = arith.constant 0.000000e+00 : f32
        %broadcast_in_dim3A_158 = vector.shape_cast %while3A_155 : vector<1x512xf32> to vector<1x512xf32>
        %broadcast_in_dim3A_159 = vector.broadcast %broadcast_in_dim3A_158 : vector<1x512xf32> to vector<512x512xf32>
        %broadcast_in_dim3A_160 = vector.broadcast %jit3A_157 : f32 to vector<512x512xf32>
        %select_n3A_161 = arith.select %eq3A, %broadcast_in_dim3A_159, %broadcast_in_dim3A_160 : vector<512x512xi1>, vector<512x512xf32>
        %reduce_max3A_162 = arith.constant dense<0xFF800000> : vector<512xf32>
        %reduce_max3A_163 = vector.multi_reduction <maximumf>, %select_n3A_161, %reduce_max3A_162 [1] : vector<512x512xf32> to vector<512xf32>
        %broadcast_in_dim3A_164 = vector.shape_cast %reduce_max3A_163 : vector<512xf32> to vector<512x1xf32>
        %gt3A_165 = arith.constant 0.000000e+00 : f32
        %gt3A_166 = vector.broadcast %gt3A_165 : f32 to vector<512x1xf32>
        %gt3A_167 = arith.cmpf ogt, %broadcast_in_dim3A_164, %gt3A_166 : vector<512x1xf32>
        %and3A_168 = vector.broadcast %gt3A_167 : vector<512x1xi1> to vector<512x512xi1>
        %and3A_169 = arith.andi %and3A_168, %and3A : vector<512x512xi1>
        %jit3A_170 = arith.constant 1.000000e+00 : f32
        %jit3A_171 = arith.constant 0.000000e+00 : f32
        %broadcast_in_dim3A_172 = vector.broadcast %jit3A_170 : f32 to vector<512x512xf32>
        %broadcast_in_dim3A_173 = vector.broadcast %jit3A_171 : f32 to vector<512x512xf32>
        %select_n3A_174 = arith.select %and3A_169, %broadcast_in_dim3A_172, %broadcast_in_dim3A_173 : vector<512x512xi1>, vector<512x512xf32>
        %reduce_max3A_175 = arith.constant dense<0xFF800000> : vector<512xf32>
        %reduce_max3A_176 = vector.multi_reduction <maximumf>, %select_n3A_174, %reduce_max3A_175 [0] : vector<512x512xf32> to vector<512xf32>
        %broadcast_in_dim3A_177 = vector.shape_cast %reduce_max3A_176 : vector<512xf32> to vector<1x512xf32>
        %gt3A_178 = arith.constant 0.000000e+00 : f32
        %gt3A_179 = vector.broadcast %gt3A_178 : f32 to vector<1x512xf32>
        %gt3A_180 = arith.cmpf ogt, %broadcast_in_dim3A_177, %gt3A_179 : vector<1x512xf32>
        %jit3A_181 = arith.constant 0.000000e+00 : f32
        %broadcast_in_dim3A_182 = vector.broadcast %jit3A_181 : f32 to vector<1x512xf32>
        %select_n3A_183 = arith.select %gt3A_180, %broadcast_in_dim3A_182, %get3A_105 : vector<1x512xi1>, vector<1x512xf32>
        %ne3A = arith.cmpf one, %select_n3A_183, %while3A_155 : vector<1x512xf32>
        %reduce_or3A = arith.constant 1.000000e+00 : f32
        %reduce_or3A_184 = arith.constant 0.000000e+00 : f32
        %reduce_or3A_185 = vector.broadcast %reduce_or3A : f32 to vector<1x512xf32>
        %reduce_or3A_186 = vector.broadcast %reduce_or3A_184 : f32 to vector<1x512xf32>
        %reduce_or3A_187 = arith.select %ne3A, %reduce_or3A_185, %reduce_or3A_186 : vector<1x512xi1>, vector<1x512xf32>
        %reduce_or3A_188 = vector.shape_cast %reduce_or3A_187 : vector<1x512xf32> to vector<1x1x512xf32>
        %reduce_or3A_189 = arith.constant dense<0xFF800000> : vector<1xf32>
        %reduce_or3A_190 = vector.multi_reduction <maximumf>, %reduce_or3A_188, %reduce_or3A_189 [1, 2] : vector<1x1x512xf32> to vector<1xf32>
        %reduce_or3A_191 = vector.shape_cast %reduce_or3A_190 : vector<1xf32> to vector<1x1x1xf32>
        %reduce_or3A_192 = vector.extract %reduce_or3A_191[0, 0, 0] : f32 from vector<1x1x1xf32>
        %reduce_or3A_193 = arith.constant 0.000000e+00 : f32
        %reduce_or3A_194 = arith.cmpf ogt, %reduce_or3A_192, %reduce_or3A_193 : f32
        scf.yield %select_n3A_183, %reduce_or3A_194 : vector<1x512xf32>, i1
      }
      %swap3A_107 = arith.constant 0 : index
      %swap3A_108 = arith.index_cast %mul3A_46 : i32 to index
      %swap3A_109 = vector.load %arg4[%swap3A_107, %swap3A_108] : memref<1x4096xf32, #tpu.memory_space<vmem>>, vector<1x512xf32>
      tpu.vector_store %arg4[%swap3A_107, %swap3A_108], %while3A_106#0 {strides = array<i32>} : memref<1x4096xf32, #tpu.memory_space<vmem>>, vector<1x512xf32>,
      %jit3A = arith.constant 0.000000e+00 : f32
      %broadcast_in_dim3A_110 = vector.shape_cast %while3A_106#0 : vector<1x512xf32> to vector<1x512xf32>
      %broadcast_in_dim3A_111 = vector.broadcast %broadcast_in_dim3A_110 : vector<1x512xf32> to vector<512x512xf32>
      %broadcast_in_dim3A_112 = vector.broadcast %jit3A : f32 to vector<512x512xf32>
      %select_n3A = arith.select %eq3A, %broadcast_in_dim3A_111, %broadcast_in_dim3A_112 : vector<512x512xi1>, vector<512x512xf32>
      %reduce_max3A = arith.constant dense<0xFF800000> : vector<512xf32>
      %reduce_max3A_113 = vector.multi_reduction <maximumf>, %select_n3A, %reduce_max3A [1] : vector<512x512xf32> to vector<512xf32>
      %broadcast_in_dim3A_114 = vector.shape_cast %reduce_max3A_113 : vector<512xf32> to vector<512x1xf32>
      %gt3A_115 = arith.constant 0.000000e+00 : f32
      %gt3A_116 = vector.broadcast %gt3A_115 : f32 to vector<512x1xf32>
      %gt3A_117 = arith.cmpf ogt, %broadcast_in_dim3A_114, %gt3A_116 : vector<512x1xf32>
      %jit3A_118 = arith.constant -1.000000e+09 : f32
      %broadcast_in_dim3A_119 = vector.broadcast %jit3A_118 : f32 to vector<512x1xf32>
      %select_n3A_120 = arith.select %gt3A_117, %get3A_49, %broadcast_in_dim3A_119 : vector<512x1xi1>, vector<512x1xf32>
      %jit3A_121 = arith.constant -1.000000e+09 : f32
      %broadcast_in_dim3A_122 = vector.broadcast %jit3A_121 : f32 to vector<512x1xf32>
      %select_n3A_123 = arith.select %gt3A_117, %get3A_52, %broadcast_in_dim3A_122 : vector<512x1xi1>, vector<512x1xf32>
      %jit3A_124 = arith.constant -1.000000e+09 : f32
      %broadcast_in_dim3A_125 = vector.broadcast %jit3A_124 : f32 to vector<512x1xf32>
      %select_n3A_126 = arith.select %gt3A_117, %get3A_55, %broadcast_in_dim3A_125 : vector<512x1xi1>, vector<512x1xf32>
      %jit3A_127 = arith.constant -1.000000e+09 : f32
      %broadcast_in_dim3A_128 = vector.broadcast %jit3A_127 : f32 to vector<512x1xf32>
      %select_n3A_129 = arith.select %gt3A_117, %get3A_58, %broadcast_in_dim3A_128 : vector<512x1xi1>, vector<512x1xf32>
      %sub3A_130 = arith.subf %select_n3A_126, %select_n3A_120 : vector<512x1xf32>
      %sub3A_131 = arith.subf %select_n3A_129, %select_n3A_123 : vector<512x1xf32>
      %mul3A_132 = arith.mulf %sub3A_130, %sub3A_131 : vector<512x1xf32>
      %broadcast_in_dim3A_133 = vector.shape_cast %select_n3A_120 : vector<512x1xf32> to vector<512x1xf32>
      %broadcast_in_dim3A_134 = vector.broadcast %broadcast_in_dim3A_133 : vector<512x1xf32> to vector<512x512xf32>
      %broadcast_in_dim3A_135 = vector.shape_cast %select_n3A_123 : vector<512x1xf32> to vector<512x1xf32>
      %broadcast_in_dim3A_136 = vector.broadcast %broadcast_in_dim3A_135 : vector<512x1xf32> to vector<512x512xf32>
      %broadcast_in_dim3A_137 = vector.shape_cast %select_n3A_126 : vector<512x1xf32> to vector<512x1xf32>
      %broadcast_in_dim3A_138 = vector.broadcast %broadcast_in_dim3A_137 : vector<512x1xf32> to vector<512x512xf32>
      %broadcast_in_dim3A_139 = vector.shape_cast %select_n3A_129 : vector<512x1xf32> to vector<512x1xf32>
      %broadcast_in_dim3A_140 = vector.broadcast %broadcast_in_dim3A_139 : vector<512x1xf32> to vector<512x512xf32>
      %broadcast_in_dim3A_141 = vector.shape_cast %mul3A_132 : vector<512x1xf32> to vector<512x1xf32>
      %broadcast_in_dim3A_142 = vector.broadcast %broadcast_in_dim3A_141 : vector<512x1xf32> to vector<512x512xf32>
      %add3A_143 = arith.constant 1 : i32
      %add3A_144 = arith.addi %scan3A_44, %add3A_143 : i32
      %while3A_145 = arith.constant 0 : i32
      %while3A_146 = arith.constant 8 : i32
      %while3A_147 = arith.subi %while3A_146, %add3A_144 : i32
      %while3A_148 = arith.addi %add3A_144, %while3A_147 : i32
      %while3A_149 = arith.constant 1 : i32
      %while3A_150 = arith.divsi %while3A_147, %while3A_149 : i32
      %while3A_151 = arith.muli %while3A_150, %while3A_149 : i32
      %while3A_152 = arith.addi %add3A_144, %while3A_151 : i32
      %while3A_153 = arith.constant 1 : i32
      scf.for %while3A_155 = %add3A_144 to %while3A_152 step %while3A_153  : i32 {
        %mul3A_156 = arith.constant 512 : i32
        %mul3A_157 = arith.muli %while3A_155, %mul3A_156 : i32
        %get3A_158 = arith.constant 0 : index
        %get3A_159 = arith.index_cast %mul3A_157 : i32 to index
        %get3A_160 = vector.load %arg1[%get3A_158, %get3A_159] : memref<4x4096xf32, #tpu.memory_space<vmem>>, vector<1x512xf32>
        %get3A_161 = arith.constant 1 : index
        %get3A_162 = arith.index_cast %mul3A_157 : i32 to index
        %get3A_163 = vector.load %arg1[%get3A_161, %get3A_162] : memref<4x4096xf32, #tpu.memory_space<vmem>>, vector<1x512xf32>
        %get3A_164 = arith.constant 2 : index
        %get3A_165 = arith.index_cast %mul3A_157 : i32 to index
        %get3A_166 = vector.load %arg1[%get3A_164, %get3A_165] : memref<4x4096xf32, #tpu.memory_space<vmem>>, vector<1x512xf32>
        %get3A_167 = arith.constant 3 : index
        %get3A_168 = arith.index_cast %mul3A_157 : i32 to index
        %get3A_169 = vector.load %arg1[%get3A_167, %get3A_168] : memref<4x4096xf32, #tpu.memory_space<vmem>>, vector<1x512xf32>
        %sub3A_170 = arith.subf %get3A_166, %get3A_160 : vector<1x512xf32>
        %sub3A_171 = arith.subf %get3A_169, %get3A_163 : vector<1x512xf32>
        %mul3A_172 = arith.mulf %sub3A_170, %sub3A_171 : vector<1x512xf32>
        %min3A_173 = vector.broadcast %get3A_166 : vector<1x512xf32> to vector<512x512xf32>
        %min3A_174 = arith.minimumf %broadcast_in_dim3A_138, %min3A_173 : vector<512x512xf32>
        %max3A_175 = vector.broadcast %get3A_160 : vector<1x512xf32> to vector<512x512xf32>
        %max3A_176 = arith.maximumf %broadcast_in_dim3A_134, %max3A_175 : vector<512x512xf32>
        %sub3A_177 = arith.subf %min3A_174, %max3A_176 : vector<512x512xf32>
        %max3A_178 = arith.constant 0.000000e+00 : f32
        %max3A_179 = vector.broadcast %max3A_178 : f32 to vector<512x512xf32>
        %max3A_180 = arith.maximumf %sub3A_177, %max3A_179 : vector<512x512xf32>
        %min3A_181 = vector.broadcast %get3A_169 : vector<1x512xf32> to vector<512x512xf32>
        %min3A_182 = arith.minimumf %broadcast_in_dim3A_140, %min3A_181 : vector<512x512xf32>
        %max3A_183 = vector.broadcast %get3A_163 : vector<1x512xf32> to vector<512x512xf32>
        %max3A_184 = arith.maximumf %broadcast_in_dim3A_136, %max3A_183 : vector<512x512xf32>
        %sub3A_185 = arith.subf %min3A_182, %max3A_184 : vector<512x512xf32>
        %max3A_186 = arith.constant 0.000000e+00 : f32
        %max3A_187 = vector.broadcast %max3A_186 : f32 to vector<512x512xf32>
        %max3A_188 = arith.maximumf %sub3A_185, %max3A_187 : vector<512x512xf32>
        %mul3A_189 = arith.mulf %max3A_180, %max3A_188 : vector<512x512xf32>
        %add3A_190 = vector.broadcast %mul3A_172 : vector<1x512xf32> to vector<512x512xf32>
        %add3A_191 = arith.addf %broadcast_in_dim3A_142, %add3A_190 : vector<512x512xf32>
        %sub3A_192 = arith.subf %add3A_191, %mul3A_189 : vector<512x512xf32>
        %max3A_193 = arith.constant 9.99999971E-10 : f32
        %max3A_194 = vector.broadcast %max3A_193 : f32 to vector<512x512xf32>
        %max3A_195 = arith.maximumf %sub3A_192, %max3A_194 : vector<512x512xf32>
        %div3A_196 = arith.divf %mul3A_189, %max3A_195 : vector<512x512xf32>
        %reduce_max3A_197 = arith.constant dense<0xFF800000> : vector<512xf32>
        %reduce_max3A_198 = vector.multi_reduction <maximumf>, %div3A_196, %reduce_max3A_197 [0] : vector<512x512xf32> to vector<512xf32>
        %broadcast_in_dim3A_199 = vector.shape_cast %reduce_max3A_198 : vector<512xf32> to vector<1x512xf32>
        %get3A_200 = arith.constant 0 : index
        %get3A_201 = arith.index_cast %mul3A_157 : i32 to index
        %get3A_202 = vector.load %arg4[%get3A_200, %get3A_201] : memref<1x4096xf32, #tpu.memory_space<vmem>>, vector<1x512xf32>
        %gt3A_203 = arith.constant 5.000000e-01 : f32
        %gt3A_204 = vector.broadcast %gt3A_203 : f32 to vector<1x512xf32>
        %gt3A_205 = arith.cmpf ogt, %broadcast_in_dim3A_199, %gt3A_204 : vector<1x512xf32>
        %jit3A_206 = arith.constant 0.000000e+00 : f32
        %broadcast_in_dim3A_207 = vector.broadcast %jit3A_206 : f32 to vector<1x512xf32>
        %select_n3A_208 = arith.select %gt3A_205, %broadcast_in_dim3A_207, %get3A_202 : vector<1x512xi1>, vector<1x512xf32>
        %swap3A_209 = arith.constant 0 : index
        %swap3A_210 = arith.index_cast %mul3A_157 : i32 to index
        %swap3A_211 = vector.load %arg4[%swap3A_209, %swap3A_210] : memref<1x4096xf32, #tpu.memory_space<vmem>>, vector<1x512xf32>
        tpu.vector_store %arg4[%swap3A_209, %swap3A_210], %select_n3A_208 {strides = array<i32>} : memref<1x4096xf32, #tpu.memory_space<vmem>>, vector<1x512xf32>,
      }
      %while3A_154 = arith.constant 1 : i32
      scf.for %while3A_155 = %while3A_152 to %while3A_148 step %while3A_154  : i32 {
        %mul3A_156 = arith.constant 512 : i32
        %mul3A_157 = arith.muli %while3A_155, %mul3A_156 : i32
        %get3A_158 = arith.constant 0 : index
        %get3A_159 = arith.index_cast %mul3A_157 : i32 to index
        %get3A_160 = vector.load %arg1[%get3A_158, %get3A_159] : memref<4x4096xf32, #tpu.memory_space<vmem>>, vector<1x512xf32>
        %get3A_161 = arith.constant 1 : index
        %get3A_162 = arith.index_cast %mul3A_157 : i32 to index
        %get3A_163 = vector.load %arg1[%get3A_161, %get3A_162] : memref<4x4096xf32, #tpu.memory_space<vmem>>, vector<1x512xf32>
        %get3A_164 = arith.constant 2 : index
        %get3A_165 = arith.index_cast %mul3A_157 : i32 to index
        %get3A_166 = vector.load %arg1[%get3A_164, %get3A_165] : memref<4x4096xf32, #tpu.memory_space<vmem>>, vector<1x512xf32>
        %get3A_167 = arith.constant 3 : index
        %get3A_168 = arith.index_cast %mul3A_157 : i32 to index
        %get3A_169 = vector.load %arg1[%get3A_167, %get3A_168] : memref<4x4096xf32, #tpu.memory_space<vmem>>, vector<1x512xf32>
        %sub3A_170 = arith.subf %get3A_166, %get3A_160 : vector<1x512xf32>
        %sub3A_171 = arith.subf %get3A_169, %get3A_163 : vector<1x512xf32>
        %mul3A_172 = arith.mulf %sub3A_170, %sub3A_171 : vector<1x512xf32>
        %min3A_173 = vector.broadcast %get3A_166 : vector<1x512xf32> to vector<512x512xf32>
        %min3A_174 = arith.minimumf %broadcast_in_dim3A_138, %min3A_173 : vector<512x512xf32>
        %max3A_175 = vector.broadcast %get3A_160 : vector<1x512xf32> to vector<512x512xf32>
        %max3A_176 = arith.maximumf %broadcast_in_dim3A_134, %max3A_175 : vector<512x512xf32>
        %sub3A_177 = arith.subf %min3A_174, %max3A_176 : vector<512x512xf32>
        %max3A_178 = arith.constant 0.000000e+00 : f32
        %max3A_179 = vector.broadcast %max3A_178 : f32 to vector<512x512xf32>
        %max3A_180 = arith.maximumf %sub3A_177, %max3A_179 : vector<512x512xf32>
        %min3A_181 = vector.broadcast %get3A_169 : vector<1x512xf32> to vector<512x512xf32>
        %min3A_182 = arith.minimumf %broadcast_in_dim3A_140, %min3A_181 : vector<512x512xf32>
        %max3A_183 = vector.broadcast %get3A_163 : vector<1x512xf32> to vector<512x512xf32>
        %max3A_184 = arith.maximumf %broadcast_in_dim3A_136, %max3A_183 : vector<512x512xf32>
        %sub3A_185 = arith.subf %min3A_182, %max3A_184 : vector<512x512xf32>
        %max3A_186 = arith.constant 0.000000e+00 : f32
        %max3A_187 = vector.broadcast %max3A_186 : f32 to vector<512x512xf32>
        %max3A_188 = arith.maximumf %sub3A_185, %max3A_187 : vector<512x512xf32>
        %mul3A_189 = arith.mulf %max3A_180, %max3A_188 : vector<512x512xf32>
        %add3A_190 = vector.broadcast %mul3A_172 : vector<1x512xf32> to vector<512x512xf32>
        %add3A_191 = arith.addf %broadcast_in_dim3A_142, %add3A_190 : vector<512x512xf32>
        %sub3A_192 = arith.subf %add3A_191, %mul3A_189 : vector<512x512xf32>
        %max3A_193 = arith.constant 9.99999971E-10 : f32
        %max3A_194 = vector.broadcast %max3A_193 : f32 to vector<512x512xf32>
        %max3A_195 = arith.maximumf %sub3A_192, %max3A_194 : vector<512x512xf32>
        %div3A_196 = arith.divf %mul3A_189, %max3A_195 : vector<512x512xf32>
        %reduce_max3A_197 = arith.constant dense<0xFF800000> : vector<512xf32>
        %reduce_max3A_198 = vector.multi_reduction <maximumf>, %div3A_196, %reduce_max3A_197 [0] : vector<512x512xf32> to vector<512xf32>
        %broadcast_in_dim3A_199 = vector.shape_cast %reduce_max3A_198 : vector<512xf32> to vector<1x512xf32>
        %get3A_200 = arith.constant 0 : index
        %get3A_201 = arith.index_cast %mul3A_157 : i32 to index
        %get3A_202 = vector.load %arg4[%get3A_200, %get3A_201] : memref<1x4096xf32, #tpu.memory_space<vmem>>, vector<1x512xf32>
        %gt3A_203 = arith.constant 5.000000e-01 : f32
        %gt3A_204 = vector.broadcast %gt3A_203 : f32 to vector<1x512xf32>
        %gt3A_205 = arith.cmpf ogt, %broadcast_in_dim3A_199, %gt3A_204 : vector<1x512xf32>
        %jit3A_206 = arith.constant 0.000000e+00 : f32
        %broadcast_in_dim3A_207 = vector.broadcast %jit3A_206 : f32 to vector<1x512xf32>
        %select_n3A_208 = arith.select %gt3A_205, %broadcast_in_dim3A_207, %get3A_202 : vector<1x512xi1>, vector<1x512xf32>
        %swap3A_209 = arith.constant 0 : index
        %swap3A_210 = arith.index_cast %mul3A_157 : i32 to index
        %swap3A_211 = vector.load %arg4[%swap3A_209, %swap3A_210] : memref<1x4096xf32, #tpu.memory_space<vmem>>, vector<1x512xf32>
        tpu.vector_store %arg4[%swap3A_209, %swap3A_210], %select_n3A_208 {strides = array<i32>} : memref<1x4096xf32, #tpu.memory_space<vmem>>, vector<1x512xf32>,
      }
    }
    %scan3A_7 = arith.constant 8 : i32
    %get3A = arith.constant 0 : index
    %get3A_8 = arith.constant 0 : index
    %get3A_9 = vector.load %arg4[%get3A, %get3A_8] : memref<1x4096xf32, #tpu.memory_space<vmem>>, vector<1x4096xf32>
    %get3A_10 = arith.constant 0 : index
    %get3A_11 = arith.constant 0 : index
    %get3A_12 = vector.load %arg1[%get3A_10, %get3A_11] : memref<4x4096xf32, #tpu.memory_space<vmem>>, vector<1x4096xf32>
    %mul3A = arith.mulf %get3A_12, %get3A_9 : vector<1x4096xf32>
    %swap3A_13 = arith.constant 0 : index
    %swap3A_14 = arith.constant 0 : index
    %swap3A_15 = vector.load %arg3[%swap3A_13, %swap3A_14] : memref<5x4096xf32, #tpu.memory_space<vmem>>, vector<1x4096xf32>
    tpu.vector_store %arg3[%swap3A_13, %swap3A_14], %mul3A {strides = array<i32>} : memref<5x4096xf32, #tpu.memory_space<vmem>>, vector<1x4096xf32>,
    %get3A_16 = arith.constant 1 : index
    %get3A_17 = arith.constant 0 : index
    %get3A_18 = vector.load %arg1[%get3A_16, %get3A_17] : memref<4x4096xf32, #tpu.memory_space<vmem>>, vector<1x4096xf32>
    %mul3A_19 = arith.mulf %get3A_18, %get3A_9 : vector<1x4096xf32>
    %swap3A_20 = arith.constant 1 : index
    %swap3A_21 = arith.constant 0 : index
    %swap3A_22 = vector.load %arg3[%swap3A_20, %swap3A_21] : memref<5x4096xf32, #tpu.memory_space<vmem>>, vector<1x4096xf32>
    tpu.vector_store %arg3[%swap3A_20, %swap3A_21], %mul3A_19 {strides = array<i32>} : memref<5x4096xf32, #tpu.memory_space<vmem>>, vector<1x4096xf32>,
    %get3A_23 = arith.constant 2 : index
    %get3A_24 = arith.constant 0 : index
    %get3A_25 = vector.load %arg1[%get3A_23, %get3A_24] : memref<4x4096xf32, #tpu.memory_space<vmem>>, vector<1x4096xf32>
    %mul3A_26 = arith.mulf %get3A_25, %get3A_9 : vector<1x4096xf32>
    %swap3A_27 = arith.constant 2 : index
    %swap3A_28 = arith.constant 0 : index
    %swap3A_29 = vector.load %arg3[%swap3A_27, %swap3A_28] : memref<5x4096xf32, #tpu.memory_space<vmem>>, vector<1x4096xf32>
    tpu.vector_store %arg3[%swap3A_27, %swap3A_28], %mul3A_26 {strides = array<i32>} : memref<5x4096xf32, #tpu.memory_space<vmem>>, vector<1x4096xf32>,
    %get3A_30 = arith.constant 3 : index
    %get3A_31 = arith.constant 0 : index
    %get3A_32 = vector.load %arg1[%get3A_30, %get3A_31] : memref<4x4096xf32, #tpu.memory_space<vmem>>, vector<1x4096xf32>
    %mul3A_33 = arith.mulf %get3A_32, %get3A_9 : vector<1x4096xf32>
    %swap3A_34 = arith.constant 3 : index
    %swap3A_35 = arith.constant 0 : index
    %swap3A_36 = vector.load %arg3[%swap3A_34, %swap3A_35] : memref<5x4096xf32, #tpu.memory_space<vmem>>, vector<1x4096xf32>
    tpu.vector_store %arg3[%swap3A_34, %swap3A_35], %mul3A_33 {strides = array<i32>} : memref<5x4096xf32, #tpu.memory_space<vmem>>, vector<1x4096xf32>,
    %get3A_37 = arith.constant 0 : index
    %get3A_38 = arith.constant 0 : index
    %get3A_39 = vector.load %arg2[%get3A_37, %get3A_38] : memref<1x4096xf32, #tpu.memory_space<vmem>>, vector<1x4096xf32>
    %mul3A_40 = arith.mulf %get3A_39, %get3A_9 : vector<1x4096xf32>
    %swap3A_41 = arith.constant 4 : index
    %swap3A_42 = arith.constant 0 : index
    %swap3A_43 = vector.load %arg3[%swap3A_41, %swap3A_42] : memref<5x4096xf32, #tpu.memory_space<vmem>>, vector<1x4096xf32>
    tpu.vector_store %arg3[%swap3A_41, %swap3A_42], %mul3A_40 {strides = array<i32>} : memref<5x4096xf32, #tpu.memory_space<vmem>>, vector<1x4096xf32>,
    return
  }
}

</mosaic_0001>

<sc_bundles>
// kernel: kernel.4.cloned.1.call-start
scs
__scs_entry_jumppad:
0x0: {  	(pc) =	sbr.rel $0x88, $3  }
0x1: {  	(tag) =	ssettag $0x0;
	lr =	simm.s32 $0x1  }
0x2: {  	[smem:$0x3F9F] =	sst lr;
	_ =	strace $0xD0000000  }
0x3: {  	_ = 	snop  }
0x4: {  	_ = 	snop  }
0x5: {  	_ = 	snop  }
0x6: {  	_ = 	snop  }
0x7: {  	_ = 	snop  }
__scs_overlays_trampoline_lowered:
0x8: {  	[smem:$0x3FAE] =	sst s0  }
0x9: {  	[smem:$0x3FAF] =	sst s1  }
0xa: {  	[smem:$0x3FB0] =	sst s2  }
0xb: {  	[smem:$0x3FB1] =	sst s3  }
0xc: {  	[smem:$0x3FB2] =	sst s4  }
0xd: {  	[smem:$0x3FB3] =	sst s5  }
0xe: {  	[smem:$0x3FB4] =	sst s6  }
0xf: {  	[smem:$0x3FB5] =	sst s7  }
0x10: {  	[smem:$0x3FB6] =	sst s8  }
0x11: {  	[smem:$0x3FB7] =	sst s9;
	s0 =	simm.s32 @!p0 $0x0  }
0x12: {  	s1 =	sld [smem:$0x3F9D];
	s0 =	simm.s32 @p0 $0x1  }
0x13: {  	[smem:$0x3FB8] =	sst s0;
	s0 =	simm.s32 @!p1 $0x0  }
0x14: {  	s2 =	sld [smem:$0x3F9C];
	s0 =	simm.s32 @p1 $0x1  }
0x15: {  	[smem:$0x3FB9] =	sst s0;
	s0 =	simm.s32 @!p2 $0x0  }
0x16: {  	s3 =	sld [smem:$0x3FDB];
	s0 =	simm.s32 @p2 $0x1  }
0x17: {  	s4 =	simm.s32 $0x1BF5;
	[smem:$0x3FBB] =	sst s0  }
0x18: {  	s0 =	sld [smem:$0x3F9E];
	_ =	swait.ge [sflag:s4], $0x0  }
0x19: {  	s7 =	sld [smem:$0x3F9F]  }
0x1a: {  	s8 =	sadd.s32 $0xFFFFE003, lr  }
0x1b: {  	s9 =	sadd.s32 $0xFFFFFEF7, lr;
	s5 =	simm.s32 $0xFFFFFFFF;
	p2 =	slt.u32 s8, $0xFFFFF086  }
0x1c: {  	p1 =	slt.u32 s9, $0xF7A;
	s5 =	simm.s32 @!p2 $0x0  }
0x1d: {  	s5 =	simm.s32 @p1 $0x1;
	p0 =	seq.s32 s7, s2  }
0x1e: {  	s7 =	smul.u32 @!p0 $0xF7A, s2;
	p2 =	seq.s32 @!p0 s5, $0x0  }
0x1f: {  	s9 =	smul.u32 $0xF7A, s1;
	s8 =	simm.s32 @!p0 $0x1BF5;
	p2 =	por !p2, p0  }
0x20: {  	[sflag:s8] =	ssyncset.s32 @!p0 $0xFFFFF086;
	s6 =	sadd.s32 @!p0 s3, s7;
	s7 =	simm.s32 @!p0 $0x108  }
0x21: {  	s3 =	sadd.s32 s3, s9;
	s6 =	sadd.s32 @!p0 $0x88, s6;
	s7 =	simm.s32 @p2 $0x1082  }
0x22: {  	[simem:s7], [sflag:s8] =	dma.local @!p0 [hbm:s6], $0xF7A  }
0x23: {  	s9 =	sor.u32 $0xD0000000, s2;
	s6 =	simm.s32 $0x108;
	_ =	swait.ge @!p0 [sflag:s8], $0x0  }
0x24: {  	s3 =	sadd.s32 $0x88, s3;
	s6 =	simm.s32 @!p1 $0x1082;
	[sflag:s4] =	ssyncset.s32 $0xFFFFF086  }
0x25: {  	[simem:s6], [sflag:s4] =	dma.local [hbm:s3], $0xF7A  }
0x26: {  	[smem:$0x3F9F] =	sst s1;
	(tag) =	ssettag s2;
	_ =	strace s9  }
0x27: {  	s1 =	sld [smem:$0x3FAF]  }
0x28: {  	s2 =	sld [smem:$0x3FB0]  }
0x29: {  	s4 =	sld [smem:$0x3FB2]  }
0x2a: {  	p0 =	seq.s32 s5, $0x0;
	s5 =	sld [smem:$0x3FB3]  }
0x2b: {  	s6 =	sld [smem:$0x3FB4]  }
0x2c: {  	s7 =	sld [smem:$0x3FB5]  }
0x2d: {  	s3 =	simm.s32 $0x108;
	s8 =	sld [smem:$0x3FB6]  }
0x2e: {  	s3 =	simm.s32 @!p0 $0x1082;
	s9 =	sld [smem:$0x3FB7]  }
0x2f: {  	lr =	sadd.s32 s0, s3;
	s0 =	sld [smem:$0x3FAE]  }
0x30: {  	s3 =	sld [smem:$0x3FB1]  }
0x31: {  	[smem:$0x3FBA] =	sst s10  }
0x32: {  	s10 =	sld [smem:$0x3FB8];
	_ =	sdelay $0x3  }
0x33: {  	p0 =	seq.s32 s10, $0x1;
	s10 =	sld [smem:$0x3FBA];
	_ =	sdelay $0x3  }
0x34: {  	[smem:$0x3FBA] =	sst s10  }
0x35: {  	s10 =	sld [smem:$0x3FB9];
	_ =	sdelay $0x3  }
0x36: {  	p1 =	seq.s32 s10, $0x1;
	s10 =	sld [smem:$0x3FBA];
	_ =	sdelay $0x3  }
0x37: {  	[smem:$0x3FBA] =	sst s10  }
0x38: {  	s10 =	sld [smem:$0x3FBB]  }
0x39: {  	_ = 	snop;
	(pc) =	sbr.ind lr, $3  }
0x3a: {  	_ = 	snop  }
0x3b: {  	_ = 	snop  }
0x3c: {  	p2 =	seq.s32 s10, $0x1;
	s10 =	sld [smem:$0x3FBA]  }
0x3d: {  	_ =	shalt  }
0x3e: {  	_ =	shalt  }
0x3f: {  	_ =	shalt  }
0x40: {  	_ =	shalt  }
0x41: {  	_ =	shalt  }
0x42: {  	_ =	shalt  }
0x43: {  	_ =	shalt  }
0x44: {  	_ =	shalt  }
0x45: {  	_ =	shalt  }
0x46: {  	_ =	shalt  }
0x47: {  	_ =	shalt  }
0x48: {  	_ =	shalt  }
0x49: {  	_ =	shalt  }
0x4a: {  	_ =	shalt  }
0x4b: {  	_ =	shalt  }
0x4c: {  	_ =	shalt  }
0x4d: {  	_ =	shalt  }
0x4e: {  	_ =	shalt  }
0x4f: {  	_ =	shalt  }
0x50: {  	_ =	shalt  }
0x51: {  	_ =	shalt  }
0x52: {  	_ =	shalt  }
0x53: {  	_ =	shalt  }
0x54: {  	_ =	shalt  }
0x55: {  	_ =	shalt  }
0x56: {  	_ =	shalt  }
0x57: {  	_ =	shalt  }
0x58: {  	_ =	shalt  }
0x59: {  	_ =	shalt  }
0x5a: {  	_ =	shalt  }
0x5b: {  	_ =	shalt  }
0x5c: {  	_ =	shalt  }
0x5d: {  	_ =	shalt  }
0x5e: {  	_ =	shalt  }
0x5f: {  	_ =	shalt  }
0x60: {  	_ =	shalt  }
0x61: {  	_ =	shalt  }
0x62: {  	_ =	shalt  }
0x63: {  	_ =	shalt  }
0x64: {  	_ =	shalt  }
0x65: {  	_ =	shalt  }
0x66: {  	_ =	shalt  }
0x67: {  	_ =	shalt  }
0x68: {  	_ =	shalt  }
0x69: {  	_ =	shalt  }
0x6a: {  	_ =	shalt  }
0x6b: {  	_ =	shalt  }
0x6c: {  	_ =	shalt  }
0x6d: {  	_ =	shalt  }
0x6e: {  	_ =	shalt  }
0x6f: {  	_ =	shalt  }
0x70: {  	_ =	shalt  }
0x71: {  	_ =	shalt  }
0x72: {  	_ =	shalt  }
0x73: {  	_ =	shalt  }
0x74: {  	_ =	shalt  }
0x75: {  	_ =	shalt  }
0x76: {  	_ =	shalt  }
0x77: {  	_ =	shalt  }
0x78: {  	_ =	shalt  }
0x79: {  	_ =	shalt  }
0x7a: {  	_ =	shalt  }
0x7b: {  	_ =	shalt  }
0x7c: {  	_ =	shalt  }
0x7d: {  	_ =	shalt  }
0x7e: {  	_ =	shalt  }
0x7f: {  	_ =	shalt  }
0x80: {  	_ =	shalt  }
0x81: {  	_ =	shalt  }
0x82: {  	_ =	shalt  }
0x83: {  	_ =	shalt  }
0x84: {  	_ =	shalt  }
0x85: {  	_ =	shalt  }
0x86: {  	_ =	shalt  }
0x87: {  	_ =	shalt  }
.Lfunc_end0:
.L_simem_size_0:
called_computation_lowered:
.L_overlay_start_0:
0x88: {  	s2 =	sld [smem:$0x3FD9]  }
0x89: {  	s3 =	sld [smem:$0x3FFE];
	_ =	sdelay $0x1  }
0x8a: {  	s1 =	srdreg.scid  }
0x8b: {  	s0 =	sand.u32 $0x1, s1  }
0x8c: {  	s17 =	sshll.u32 s0, $0xA;
	s2 =	sadd.s32 s3, s2  }
0x8d: {  	s2 =	sadd.s32 s2, s17  }
0x8e: {  	[smem:$0x3FC6] =	sst s2  }
0x8f: {  	_ = 	snop  }
0x90: {  	s2 =	sld [smem:$0x3FD0];
	(tm) =	ssettm $0x1  }
0x91: {  	s18 =	sld [smem:$0x3FFB];
	_ =	sdelay $0x3  }
0x92: {  	_ =	strace s18  }
0x93: {  	s3 =	sld [smem:$0x3FFC];
	_ =	sdelay $0x3  }
0x94: {  	_ =	strace s3  }
0x95: {  	s3 =	sld [smem:$0x3FFD];
	_ =	sdelay $0x3  }
0x96: {  	_ =	strace s3  }
0x97: {  	_ =	strace $0x8FFFFFFF  }
0x98: {  	s19 =	sld [smem:$0x3FDB];
	_ =	sdelay $0x1  }
0x99: {  	s4 =	simm.s32 $_scs_section_size  }
0x9a: {  	s5 =	simm.s32 $_size__tile_overlayer_lowered;
	s6 =	simm.s32 $_tile_overlayer_lowered  }
0x9b: {  	s22 =	simm.s32 $0x1BFF;
	s21 =	sshll.u32 s6, $0x1;
	s3 =	sadd.s32 s4, s19  }
0x9c: {  	s7 =	simm.s32 $0x0;
	s20 =	sshll.u32 s5, $0x1;
	s5 =	sadd.s32 s21, s3  }
0x9d: {  	[timem:s7], [sflag:s22] =	dma.local [hbm:s5], s20  }
0x9e: {  	_ =	swait.ge [sflag:s22], s20  }
0x9f: {  	s4 =	ssub.s32 $0x0, s20;
	[sflag:s22] =	ssyncset.done $0x0  }
0xa0: {  	[sflag:s22] =	ssyncadd.s32 s4;
	_ =	sdelay $0x1  }
0xa1: {  	s23 =	simm.s32 $0x1B8B  }
0xa2: {  	_ =	swait.ge [sflag:s23], $0x1  }
0xa3: {  	[sflag:s23] =	ssyncset.done $0x0  }
0xa4: {  	s25 =	simm.s32 $0x1B8E;
	s24 =	sld [smem:$0x3FFE];
	[sflag:s23] =	ssyncadd.s32 $0xFFFFFFFF  }
0xa5: {  	s26 =	simm.s32 $execute0_lowered;
	[smem:$0x3FD2] =	sst s25  }
0xa6: {  	s5 =	sshll.u32 s26, $0x1;
	_ =	strace $0x80000046;
	[dreg:$0x1] =	wrdreg $0xFFFFFFFF  }
0xa7: {  	s28 =	simm.s32 $_size_execute0_lowered;
	s3 =	sadd.s32 s3, s5;
	[dreg:$0x0] =	wrdreg $0x0  }
0xa8: {  	s5 =	sshll.u32 s28, $0x1;
	[dreg:$0x2] =	wrdreg s3  }
0xa9: {  	[dreg:$0x3] =	wrdreg s5  }
0xaa: {  	[dreg:$0x4] =	wrdreg $0xC0  }
0xab: {  	_ =	task [dreg:s7], $0x5FFFF  }
0xac: {  	[dreg:$0x1] =	wrdreg $0xFFFFFFFF  }
0xad: {  	[dreg:$0x0] =	wrdreg $0x60  }
0xae: {  	[dreg:$0x2] =	wrdreg s24  }
0xaf: {  	[dreg:$0x3] =	wrdreg s2  }
0xb0: {  	[dreg:$0x4] =	wrdreg $0x9  }
0xb1: {  	_ =	task.clear_ibuf [dreg:s7], $0x5FFFF;
	_ =	strace $0x90000046  }
0xb2: {  	s29 =	simm.s32 $0x9;
	_ =	strace $0x80000048  }
0xb3: {  	_ =	swait.ge [sflag:s29], $0x1  }
0xb4: {  	[sflag:s29] =	ssyncadd.s32 $0xFFFFFFFF  }
0xb5: {  	_ =	strace $0x90000048  }
0xb6: {  	_ =	sfence  }
0xb7: {  	s30 =	sld [smem:$0x0];
	_ =	sdelay $0x2  }
0xb8: {  	s31 =	sshll.u32 s1, $0xD;
	s1 =	sshrl.u32 s1, $0x2  }
0xb9: {  	s3 =	sand.u32 $0x4000, s31;
	s1 =	sadd.s32 s1, s30  }
0xba: {  	s0 =	sor.u32 s3, s0;
	s1 =	sshll.u32 s1, $0x11  }
0xbb: {  	s0 =	sor.u32 s1, s0  }
0xbc: {  	s0 =	sadd.s32 $0x8F2B, s0  }
0xbd: {  	[sflag:s0] =	ssyncadd.remote.s32 $0x1  }
0xbe: {  	_ =	sfence.sel $0xFFFF  }
0xbf: {  	[dreg:$0x0] =	wrdreg $0xFFFFFFFF;
	(pc) =	sbr.abs _section_cstart, $3  }
0xc0: {  	[dreg:$0x1] =	wrdreg $0xFFFFFFFF  }
0xc1: {  	_ =	task.clear_ibuf [dreg:s7], $0x2FFFF;
	_ =	strace $0x9FFFFFFF  }
0xc2: {  	(tm) =	ssettm $0x7FFFFFFF  }
0xc3: {  	_ =	shalt  }
tec
execute0_lowered:
.L_overlay_start_1:
0x0: {  	(tag) =	ssettag $0x1  }
0x1: {  	s1 =	srdreg.scid;
	s2 =	rddreg [dreg:$0x0]  }
0x2: {  	s0 =	stileid.u32;
	s4 =	rddreg [dreg:$0x1];
	s6 =	sand.u32 $0x1, s1  }
0x3: {  	s3 =	simm.s32 $0x0;
	s5 =	sshll.u32 s0, $0x8;
	s7 =	sshll.u32 s6, $0x7  }
0x4: {  	[smem:$0x7FF] =	sst s3;
	s8 =	sor.u32 s7, s5  }
0x5: {  	s1 =	rddreg [dreg:$0x2];
	_ =	strace $0x80000047;
	s5 =	sshrl.u32 s8, $0x3  }
0x6: {  	s9 =	ssub.s32 $0x2, s6;
	s5 =	sadd.s32 s4, s5;
	s4 =	simm.s32 $0x2  }
0x7: {  	[tilespmem:s3], [sflag:$0x2] =	stream.linear.gather [hbm4b:s5+s3], $0x80, $0x38;
	[tilespmem:$0x880] =	vst v63  }
0x8: {  	s10 =	sshrl.u32 s9, $0x1;
	_ =	swait.ge [sflag:s4], $0x80  }
0x9: {  	s6 =	simm.s32 $0x80;
	s9 =	ssub.s32 s9, s10;
	[sflag:s4] =	ssyncset.done $0x0  }
0xa: {  	s7 =	simm.s32 $0x1;
	s9 =	smax.u32 s9, $0x1;
	[sflag:s4] =	ssyncadd.s32 $0xFFFFFF80  }
0xb: {  	[tilespmem:s6], [sflag:$0x1] =	stream.indirect.gather [hbm4b:s2+s6], $0x10, s3, s6, $0xb8;
	[tilespmem:$0x880] =	vst v63  }
0xc: {  	s8 =	sshll.u32 s8, $0x1;
	p0 =	sne.s32 s9, $0x1;
	_ =	swait.ge [sflag:s7], $0x800  }
.Ltmp0:
0xd: {  	s8 =	sadd.s32 s8, s2;
	[sflag:s7] =	ssyncset.done $0x0;
	(pc) =	sbr.rel @!p0 .LBB2_2-.Ltmp0, $4  }
0xe: {  	s8 =	sadd.s32 $0x9E00, s8;
	[sflag:s7] =	ssyncadd.s32 $0xFFFFF800  }
0xf: {  	[hbm4b:s8+s3] =	stream.linear.scatter [tilespmem:s6], [sflag:$0x2], $0x800, $0x38;
	[tilespmem:$0x880] =	vst v63  }
0x10: {  	_ =	swait.ge [sflag:s4], $0x800  }
0x11: {  	s9 =	sadd.s32 $0xFFFFFFFF, s9;
	[sflag:s4] =	ssyncset.done $0x0  }
.LBB2_1:
0x12: {  	p0 =	sne.s32 s9, $0x1;
	s9 =	sadd.s32 $0xFFFFFFFF, s9;
	[sflag:s4] =	ssyncadd.s32 $0xFFFFF800  }
0x13: {  	[tilespmem:s3], [sflag:$0x2] =	stream.linear.gather [hbm4b:s5+s3], $0x80, $0x38;
	[tilespmem:$0x880] =	vst v63  }
0x14: {  	_ =	swait.ge [sflag:s4], $0x80  }
0x15: {  	[sflag:s4] =	ssyncset.done $0x0  }
0x16: {  	[sflag:s4] =	ssyncadd.s32 $0xFFFFFF80  }
0x17: {  	[tilespmem:s6], [sflag:$0x1] =	stream.indirect.gather [hbm4b:s2+s6], $0x10, s3, s6, $0xb8;
	[tilespmem:$0x880] =	vst v63  }
0x18: {  	_ =	swait.ge [sflag:s7], $0x800  }
.Ltmp1:
0x19: {  	[sflag:s7] =	ssyncset.done $0x0;
	(pc) =	sbr.rel @p0 .LBB2_1-.Ltmp1, $4  }
0x1a: {  	[sflag:s7] =	ssyncadd.s32 $0xFFFFF800  }
0x1b: {  	[hbm4b:s8+s3] =	stream.linear.scatter [tilespmem:s6], [sflag:$0x2], $0x800, $0x38;
	[tilespmem:$0x880] =	vst v63  }
0x1c: {  	_ =	swait.ge [sflag:s4], $0x800  }
0x1d: {  	[sflag:s4] =	ssyncset.done $0x0  }
.LBB2_2:
0x1e: {  	[sflag:s4] =	ssyncadd.s32 $0xFFFFF800  }
0x1f: {  	_ =	sfence.sel $0x180000  }
0x20: {  	[bflag:$0x0] =	sbarrier.arrive $0xFFFF  }
0x21: {  	p0 =	sne.s32 s0, $0x0;
	_ =	strace $0x90000047  }
0x22: {  	s0 =	sadd.s32 @!p0 $0x100000, s1;
	[bflag:$0x2] =	sbarrier.arrive $0xFFFF  }
0x23: {  	[sflag:s0] =	ssyncadd.tile.s32 @!p0 $0x1;
	_ =	shalt  }
.Lfunc_end2:
_tile_overlayer_lowered:
.L_overlay_start_2:
0x24: {  	(tag) =	ssettag $0x2  }
0x25: {  	s0 =	rddreg [dreg:$0x0];
	s2 =	stileid.u32  }
0x26: {  	s1 =	rddreg [dreg:$0x1];
	p0 =	sne.s32 s2, $0x0  }
0x27: {  	s3 =	rddreg [dreg:$0x2];
	[bflag:$0x3] =	sbarrier.arrive $0xFFFF;
	s2 =	simm.s32 @!p0 $0x1C02  }
0x28: {  	[timem:s3], [sflag:s2] =	dma.local @!p0 [hbm:s0], s1  }
0x29: {  	s0 =	simm.s32 @!p0 $0x2  }
0x2a: {  	_ =	swait.ge @!p0 [sflag:s0], s1  }
0x2b: {  	s1 =	ssub.s32 @!p0 $0x0, s1;
	[sflag:s0] =	ssyncset.done @!p0 $0x0  }
0x2c: {  	[sflag:s0] =	ssyncadd.s32 @!p0 s1  }
0x2d: {  	[bflag:$0x3] =	sbarrier.arrive $0xFFFF  }
0x2e: {  	_ =	shalt  }

</sc_bundles>
